<compile_context>
chip_gen: v7x
topology: tpu7x:2x2x1
jax: 0.10.2.dev20260603
libtpu: 0.0.44.dev20260713+nightly
codegen_flags: <defaults>
</compile_context>

<pallas_src>
import dataclasses
import functools

import jax
import jax.numpy as jnp
from jax import lax
from jax.experimental import pallas as pl
from jax.experimental.pallas import tpu as pltpu
from jax.experimental.pallas import tpu_sc as plsc

N, C = 4, 64
D_IN, H_IN, W_IN = 16, 28, 28
D_OUT, H_OUT, W_OUT = 32, 56, 56
L_IN = D_IN * H_IN * W_IN
L_OUT = D_OUT * H_OUT * W_OUT
HALF = L_OUT // 2
ROWS = N * C
NUM_CORES = 2
NUM_SUBCORES = 16
NUM_WORKERS = NUM_CORES * NUM_SUBCORES
ROWS_PER_W = ROWS // NUM_WORKERS
LANES = 16


def _sc_unpool(vals, keys):
    mesh = plsc.VectorSubcoreMesh(core_axis_name="c", subcore_axis_name="s")
    cp = pltpu.CompilerParams()
    if "needs_layout_passes" in pltpu.CompilerParams.__dataclass_fields__:
        cp = dataclasses.replace(cp, needs_layout_passes=False)

    @functools.partial(
        pl.kernel,
        compiler_params=cp,
        out_type=jax.ShapeDtypeStruct((ROWS, L_OUT), jnp.float32),
        mesh=mesh,
        scratch_types=[
            pltpu.VMEM((HALF,), jnp.float32),
            pltpu.VMEM((HALF,), jnp.float32),
            pltpu.VMEM((L_IN,), jnp.int32),
            pltpu.VMEM((L_IN,), jnp.float32),
            pltpu.SemaphoreType.DMA,
            pltpu.SemaphoreType.DMA,
            pltpu.SemaphoreType.DMA,
            pltpu.SemaphoreType.DMA,
        ],
    )
    def sc_kernel(val_hbm, key_hbm, out_hbm, buf_a, buf_b, idx_v, val_v,
                  sem_i, sem_v, sem_oa, sem_ob):
        wid = lax.axis_index("s") * NUM_CORES + lax.axis_index("c")
        base = wid * ROWS_PER_W
        zeros = jnp.zeros((LANES,), jnp.float32)

        @pl.loop(0, HALF, step=LANES)
        def _(i):
            buf_a[pl.ds(i, LANES)] = zeros
            buf_b[pl.ds(i, LANES)] = zeros

        @pl.loop(0, ROWS_PER_W)
        def _(k):
            row = base + k

            @pl.when(k > 0)
            def _():
                prev = row - 1
                pbase = prev * L_OUT
                pltpu.make_async_copy(
                    buf_b, out_hbm.at[prev, pl.ds(HALF, HALF)], sem_ob
                ).wait()

                @pl.loop(0, L_IN, step=LANES)
                def _(i):
                    iv = idx_v[pl.ds(i, LANES)] - pbase
                    m = iv >= HALF
                    plsc.store_scatter(
                        buf_b, [jnp.where(m, iv - HALF, 0)], zeros, mask=m)

                pltpu.make_async_copy(
                    buf_a, out_hbm.at[prev, pl.ds(0, HALF)], sem_oa
                ).wait()

                @pl.loop(0, L_IN, step=LANES)
                def _(i):
                    iv = idx_v[pl.ds(i, LANES)] - pbase
                    m = iv < HALF
                    plsc.store_scatter(buf_a, [iv], zeros, mask=m)

            cp_i = pltpu.async_copy(key_hbm.at[row], idx_v, sem_i)
            cp_v = pltpu.async_copy(val_hbm.at[row], val_v, sem_v)
            cp_i.wait()
            cp_v.wait()
            rbase = row * L_OUT

            @pl.loop(0, L_IN, step=LANES)
            def _(i):
                iv = idx_v[pl.ds(i, LANES)] - rbase
                vv = val_v[pl.ds(i, LANES)]
                plsc.store_scatter(buf_a, [iv], vv, mask=iv < HALF)

            pltpu.async_copy(buf_a, out_hbm.at[row, pl.ds(0, HALF)], sem_oa)

            @pl.loop(0, L_IN, step=LANES)
            def _(i):
                iv = idx_v[pl.ds(i, LANES)] - rbase
                vv = val_v[pl.ds(i, LANES)]
                m = iv >= HALF
                plsc.store_scatter(
                    buf_b, [jnp.where(m, iv - HALF, 0)], vv, mask=m)

            pltpu.async_copy(buf_b, out_hbm.at[row, pl.ds(HALF, HALF)], sem_ob)

        last = base + ROWS_PER_W - 1
        pltpu.make_async_copy(
            buf_a, out_hbm.at[last, pl.ds(0, HALF)], sem_oa).wait()
        pltpu.make_async_copy(
            buf_b, out_hbm.at[last, pl.ds(HALF, HALF)], sem_ob).wait()

    return sc_kernel(vals, keys)


def kernel(input, indices):
    x = input.reshape(ROWS, L_IN)
    idx = indices.reshape(ROWS, L_IN).astype(jnp.int32)
    g = idx + jnp.arange(ROWS, dtype=jnp.int32)[:, None] * L_OUT
    ks, vs = lax.sort_key_val(g.reshape(-1), x.reshape(-1), is_stable=False)
    out = _sc_unpool(vs.reshape(ROWS, L_IN), ks.reshape(ROWS, L_IN))
    return out.reshape(N, C, D_OUT, H_OUT, W_OUT)

# --- scband reference (transcript-rebuilt; emitter-appended) ---
"""Pipeline reference for scband-max-unpool3d-9113920602142 (READ-ONLY COPY).

The authoritative reference and input builder live on the scoring server;
editing this copy changes nothing except your own understanding.
"""

import jax, jax.numpy as jnp
import numpy as np

KERNEL = (2, 2, 2)
STRIDE = (2, 2, 2)
PADDING = (0, 0, 0)

N, C, D_in, H_in, W_in = 4, 64, 16, 28, 28
D_out = (D_in - 1) * STRIDE[0] - 2 * PADDING[0] + KERNEL[0]
H_out = (H_in - 1) * STRIDE[1] - 2 * PADDING[1] + KERNEL[1]
W_out = (W_in - 1) * STRIDE[2] - 2 * PADDING[2] + KERNEL[2]
L_OUT = D_out * H_out * W_out


def setup_inputs(seed: int = 0) -> dict:
    key = jax.random.key(seed)
    k1, k2 = jax.random.split(key)
    inp = jax.random.normal(k1, (N, C, D_in, H_in, W_in), dtype=jnp.float32)
    indices = jax.random.randint(k2, (N, C, D_in, H_in, W_in), 0, L_OUT, dtype=jnp.int64 if jax.config.jax_enable_x64 else jnp.int32)
    return {"input": inp, "indices": indices}


def reference(input, indices):
    # MaxUnpool3d: scatter input values into a zero-initialized larger volume
    # at positions given by `indices` (flattened over output spatial dims per (n,c) plane).
    n, c, d, h, w = input.shape
    L_in = d * h * w
    x_flat = input.reshape(n * c, L_in)
    idx_flat = indices.reshape(n * c, L_in).astype(jnp.int32)
    out = jnp.zeros((n * c, L_OUT), dtype=input.dtype)
    rows = jnp.arange(n * c, dtype=jnp.int32)[:, None]
    out = out.at[rows, idx_flat].set(x_flat)
    return out.reshape(n, c, D_out, H_out, W_out)

if __name__ == "__main__":
    import jax
    _d = setup_inputs()
    print(jax.jit(kernel)(*tuple(_d.values())))

</pallas_src>

<mosaic_0001>
#map = affine_map<(d0, d1) -> (0, 0)>
module attributes {stable_mosaic.version = 14 : i64} {
  func.func @sc_kernel(%arg0: i32, %arg1: i32, %arg2: memref<256x12544xf32, #tpu.memory_space<hbm>>, %arg3: memref<256x12544xi32, #tpu.memory_space<hbm>>, %arg4: memref<256x100352xf32, #tpu.memory_space<hbm>>, %arg5: memref<50176xf32, #tpu.memory_space<vmem>>, %arg6: memref<50176xf32, #tpu.memory_space<vmem>>, %arg7: memref<12544xi32, #tpu.memory_space<vmem>>, %arg8: memref<12544xf32, #tpu.memory_space<vmem>>, %arg9: memref<!tpu.dma_semaphore, #tpu.memory_space<semaphore_mem>>, %arg10: memref<!tpu.dma_semaphore, #tpu.memory_space<semaphore_mem>>, %arg11: memref<!tpu.dma_semaphore, #tpu.memory_space<semaphore_mem>>, %arg12: memref<!tpu.dma_semaphore, #tpu.memory_space<semaphore_mem>>) attributes {dimension_semantics = [#tpu.dimension_semantics<core_parallel>, #tpu.dimension_semantics<subcore_parallel>], iteration_bounds = array<i64: 2, 16>, scalar_prefetch = 0 : i64, scratch_operands = 8 : i64, tpu.core_type = #tpu.core_type<sc_vector_subcore>, window_params = [{transform_indices = #map}, {transform_indices = #map}, {transform_indices = #map}]} {
    %mul3A = arith.constant 2 : i32
    %mul3A_0 = arith.muli %arg1, %mul3A : i32
    %add3A = arith.addi %mul3A_0, %arg0 : i32
    %mul3A_1 = arith.constant 8 : i32
    %mul3A_2 = arith.muli %add3A, %mul3A_1 : i32
    %broadcast_in_dim3A = arith.constant 0.000000e+00 : f32
    %broadcast_in_dim3A_3 = vector.broadcast %broadcast_in_dim3A : f32 to vector<16xf32>
    %scan3A = arith.constant 0 : i32
    %scan3A_4 = arith.constant 3136 : i32
    %scan3A_5 = arith.addi %scan3A, %scan3A_4 : i32
    %scan3A_6 = arith.constant 1 : i32
    scf.for %scan3A_27 = %scan3A to %scan3A_5 step %scan3A_6  : i32 {
      %mul3A_28 = arith.constant 16 : i32
      %mul3A_29 = arith.muli %scan3A_27, %mul3A_28 : i32
      %add3A_30 = arith.constant 0 : i32
      %add3A_31 = arith.addi %add3A_30, %mul3A_29 : i32
      %swap3A = arith.index_cast %add3A_31 : i32 to index
      %swap3A_32 = tpu.vector_load %arg5[%swap3A] {strides = array<i32>} : memref<50176xf32, #tpu.memory_space<vmem>>, vector<16xf32>,
      tpu.vector_store %arg5[%swap3A], %broadcast_in_dim3A_3 {strides = array<i32>} : memref<50176xf32, #tpu.memory_space<vmem>>, vector<16xf32>,
      %swap3A_33 = arith.index_cast %add3A_31 : i32 to index
      %swap3A_34 = tpu.vector_load %arg6[%swap3A_33] {strides = array<i32>} : memref<50176xf32, #tpu.memory_space<vmem>>, vector<16xf32>,
      tpu.vector_store %arg6[%swap3A_33], %broadcast_in_dim3A_3 {strides = array<i32>} : memref<50176xf32, #tpu.memory_space<vmem>>, vector<16xf32>,
    }
    %scan3A_7 = arith.constant 3136 : i32
    %scan3A_8 = arith.constant 0 : i32
    %scan3A_9 = arith.constant 8 : i32
    %scan3A_10 = arith.addi %scan3A_8, %scan3A_9 : i32
    %scan3A_11 = arith.constant 1 : i32
    scf.for %scan3A_27 = %scan3A_8 to %scan3A_10 step %scan3A_11  : i32 {
      %mul3A_28 = arith.constant 1 : i32
      %mul3A_29 = arith.muli %scan3A_27, %mul3A_28 : i32
      %add3A_30 = arith.constant 0 : i32
      %add3A_31 = arith.addi %add3A_30, %mul3A_29 : i32
      %add3A_32 = arith.addi %mul3A_2, %add3A_31 : i32
      %gt3A = arith.constant 0 : i32
      %gt3A_33 = arith.cmpi sgt, %add3A_31, %gt3A : i32
      %convert_element_type3A = arith.extui %gt3A_33 : i1 to i32
      %cond3A = arith.constant 0 : i32
      %cond3A_34 = arith.cmpi ne, %convert_element_type3A, %cond3A : i32
      scf.if %cond3A_34 {
        %sub3A_82 = arith.constant 1 : i32
        %sub3A_83 = arith.subi %add3A_32, %sub3A_82 : i32
        %mul3A_84 = arith.constant 100352 : i32
        %mul3A_85 = arith.muli %sub3A_83, %mul3A_84 : i32
        %dma_wait3A_86 = arith.constant 50176 : i32
        %dma_wait3A_87 = tpu.memref_slice %arg4[%sub3A_83, %dma_wait3A_86] : memref<256x100352xf32, #tpu.memory_space<hbm>> -> memref<1x50176xf32, #tpu.memory_space<hbm>>
        %dma_wait3A_88 = tpu.memref_squeeze %dma_wait3A_87 : memref<1x50176xf32, #tpu.memory_space<hbm>> -> memref<50176xf32, #tpu.memory_space<hbm>>
        %dma_wait3A_89 = arith.constant 50176 : i32
        %dma_wait3A_90 = tpu.memref_slice %arg4[%sub3A_83, %dma_wait3A_89] : memref<256x100352xf32, #tpu.memory_space<hbm>> -> memref<1x50176xf32, #tpu.memory_space<hbm>>
        %dma_wait3A_91 = tpu.memref_squeeze %dma_wait3A_90 : memref<1x50176xf32, #tpu.memory_space<hbm>> -> memref<50176xf32, #tpu.memory_space<hbm>>
        tpu.wait_dma2 semaphore(%arg12 : memref<!tpu.dma_semaphore, #tpu.memory_space<semaphore_mem>>) src(%arg6 : memref<50176xf32, #tpu.memory_space<vmem>>) dst(%dma_wait3A_91 : memref<50176xf32, #tpu.memory_space<hbm>>)
        %scan3A_92 = arith.constant 0 : i32
        %scan3A_93 = arith.constant 784 : i32
        %scan3A_94 = arith.addi %scan3A_92, %scan3A_93 : i32
        %scan3A_95 = arith.constant 1 : i32
        scf.for %scan3A_108 = %scan3A_92 to %scan3A_94 step %scan3A_95  : i32 {
          %mul3A_109 = arith.constant 16 : i32
          %mul3A_110 = arith.muli %scan3A_108, %mul3A_109 : i32
          %add3A_111 = arith.constant 0 : i32
          %add3A_112 = arith.addi %add3A_111, %mul3A_110 : i32
          %get3A = arith.index_cast %add3A_112 : i32 to index
          %get3A_113 = tpu.vector_load %arg7[%get3A] {strides = array<i32>} : memref<12544xi32, #tpu.memory_space<vmem>>, vector<16xi32>,
          %sub3A_114 = vector.broadcast %mul3A_85 : i32 to vector<16xi32>
          %sub3A_115 = arith.subi %get3A_113, %sub3A_114 : vector<16xi32>
          %ge3A = arith.constant 50176 : i32
          %ge3A_116 = vector.broadcast %ge3A : i32 to vector<16xi32>
          %ge3A_117 = arith.cmpi sge, %sub3A_115, %ge3A_116 : vector<16xi32>
          %sub3A_118 = arith.constant 50176 : i32
          %sub3A_119 = vector.broadcast %sub3A_118 : i32 to vector<16xi32>
          %sub3A_120 = arith.subi %sub3A_115, %sub3A_119 : vector<16xi32>
          %jit3A = arith.constant 0 : i32
          %broadcast_in_dim3A_121 = vector.broadcast %jit3A : i32 to vector<16xi32>
          %select_n3A = arith.select %ge3A_117, %sub3A_120, %broadcast_in_dim3A_121 : vector<16xi1>, vector<16xi32>
          tpu.vector_store_idx %arg6[%select_n3A], %broadcast_in_dim3A_3 masked %ge3A_117 : memref<50176xf32, #tpu.memory_space<vmem>>[vector<16xi32>], vector<16xf32>, vector<16xi1>
        }
        %scan3A_96 = arith.constant 784 : i32
        %dma_wait3A_97 = arith.constant 0 : i32
        %dma_wait3A_98 = tpu.memref_slice %arg4[%sub3A_83, %dma_wait3A_97] : memref<256x100352xf32, #tpu.memory_space<hbm>> -> memref<1x50176xf32, #tpu.memory_space<hbm>>
        %dma_wait3A_99 = tpu.memref_squeeze %dma_wait3A_98 : memref<1x50176xf32, #tpu.memory_space<hbm>> -> memref<50176xf32, #tpu.memory_space<hbm>>
        %dma_wait3A_100 = arith.constant 0 : i32
        %dma_wait3A_101 = tpu.memref_slice %arg4[%sub3A_83, %dma_wait3A_100] : memref<256x100352xf32, #tpu.memory_space<hbm>> -> memref<1x50176xf32, #tpu.memory_space<hbm>>
        %dma_wait3A_102 = tpu.memref_squeeze %dma_wait3A_101 : memref<1x50176xf32, #tpu.memory_space<hbm>> -> memref<50176xf32, #tpu.memory_space<hbm>>
        tpu.wait_dma2 semaphore(%arg11 : memref<!tpu.dma_semaphore, #tpu.memory_space<semaphore_mem>>) src(%arg5 : memref<50176xf32, #tpu.memory_space<vmem>>) dst(%dma_wait3A_102 : memref<50176xf32, #tpu.memory_space<hbm>>)
        %scan3A_103 = arith.constant 0 : i32
        %scan3A_104 = arith.constant 784 : i32
        %scan3A_105 = arith.addi %scan3A_103, %scan3A_104 : i32
        %scan3A_106 = arith.constant 1 : i32
        scf.for %scan3A_108 = %scan3A_103 to %scan3A_105 step %scan3A_106  : i32 {
          %mul3A_109 = arith.constant 16 : i32
          %mul3A_110 = arith.muli %scan3A_108, %mul3A_109 : i32
          %add3A_111 = arith.constant 0 : i32
          %add3A_112 = arith.addi %add3A_111, %mul3A_110 : i32
          %get3A = arith.index_cast %add3A_112 : i32 to index
          %get3A_113 = tpu.vector_load %arg7[%get3A] {strides = array<i32>} : memref<12544xi32, #tpu.memory_space<vmem>>, vector<16xi32>,
          %sub3A_114 = vector.broadcast %mul3A_85 : i32 to vector<16xi32>
          %sub3A_115 = arith.subi %get3A_113, %sub3A_114 : vector<16xi32>
          %lt3A = arith.constant 50176 : i32
          %lt3A_116 = vector.broadcast %lt3A : i32 to vector<16xi32>
          %lt3A_117 = arith.cmpi slt, %sub3A_115, %lt3A_116 : vector<16xi32>
          tpu.vector_store_idx %arg5[%sub3A_115], %broadcast_in_dim3A_3 masked %lt3A_117 : memref<50176xf32, #tpu.memory_space<vmem>>[vector<16xi32>], vector<16xf32>, vector<16xi1>
        }
        %scan3A_107 = arith.constant 784 : i32
      } else {
      }
      %dma_start3A = arith.constant 0 : i32
      %dma_start3A_35 = tpu.memref_slice %arg3[%add3A_32, %dma_start3A] : memref<256x12544xi32, #tpu.memory_space<hbm>> -> memref<1x12544xi32, #tpu.memory_space<hbm>>
      %dma_start3A_36 = tpu.memref_squeeze %dma_start3A_35 : memref<1x12544xi32, #tpu.memory_space<hbm>> -> memref<12544xi32, #tpu.memory_space<hbm>>
      %dma_start3A_37 = arith.constant 0 : i32
      %dma_start3A_38 = tpu.memref_slice %arg3[%add3A_32, %dma_start3A_37] : memref<256x12544xi32, #tpu.memory_space<hbm>> -> memref<1x12544xi32, #tpu.memory_space<hbm>>
      %dma_start3A_39 = tpu.memref_squeeze %dma_start3A_38 : memref<1x12544xi32, #tpu.memory_space<hbm>> -> memref<12544xi32, #tpu.memory_space<hbm>>
      tpu.enqueue_dma source(%dma_start3A_39 : memref<12544xi32, #tpu.memory_space<hbm>>) target(%arg7 : memref<12544xi32, #tpu.memory_space<vmem>>) target_semaphore(%arg9 : memref<!tpu.dma_semaphore, #tpu.memory_space<semaphore_mem>>)
      %dma_start3A_40 = arith.constant 0 : i32
      %dma_start3A_41 = tpu.memref_slice %arg2[%add3A_32, %dma_start3A_40] : memref<256x12544xf32, #tpu.memory_space<hbm>> -> memref<1x12544xf32, #tpu.memory_space<hbm>>
      %dma_start3A_42 = tpu.memref_squeeze %dma_start3A_41 : memref<1x12544xf32, #tpu.memory_space<hbm>> -> memref<12544xf32, #tpu.memory_space<hbm>>
      %dma_start3A_43 = arith.constant 0 : i32
      %dma_start3A_44 = tpu.memref_slice %arg2[%add3A_32, %dma_start3A_43] : memref<256x12544xf32, #tpu.memory_space<hbm>> -> memref<1x12544xf32, #tpu.memory_space<hbm>>
      %dma_start3A_45 = tpu.memref_squeeze %dma_start3A_44 : memref<1x12544xf32, #tpu.memory_space<hbm>> -> memref<12544xf32, #tpu.memory_space<hbm>>
      tpu.enqueue_dma source(%dma_start3A_45 : memref<12544xf32, #tpu.memory_space<hbm>>) target(%arg8 : memref<12544xf32, #tpu.memory_space<vmem>>) target_semaphore(%arg10 : memref<!tpu.dma_semaphore, #tpu.memory_space<semaphore_mem>>)
      %dma_wait3A_46 = arith.constant 0 : i32
      %dma_wait3A_47 = tpu.memref_slice %arg3[%add3A_32, %dma_wait3A_46] : memref<256x12544xi32, #tpu.memory_space<hbm>> -> memref<1x12544xi32, #tpu.memory_space<hbm>>
      %dma_wait3A_48 = tpu.memref_squeeze %dma_wait3A_47 : memref<1x12544xi32, #tpu.memory_space<hbm>> -> memref<12544xi32, #tpu.memory_space<hbm>>
      %dma_wait3A_49 = arith.constant 0 : i32
      %dma_wait3A_50 = tpu.memref_slice %arg3[%add3A_32, %dma_wait3A_49] : memref<256x12544xi32, #tpu.memory_space<hbm>> -> memref<1x12544xi32, #tpu.memory_space<hbm>>
      %dma_wait3A_51 = tpu.memref_squeeze %dma_wait3A_50 : memref<1x12544xi32, #tpu.memory_space<hbm>> -> memref<12544xi32, #tpu.memory_space<hbm>>
      tpu.wait_dma2 semaphore(%arg9 : memref<!tpu.dma_semaphore, #tpu.memory_space<semaphore_mem>>) src(%dma_wait3A_51 : memref<12544xi32, #tpu.memory_space<hbm>>) dst(%arg7 : memref<12544xi32, #tpu.memory_space<vmem>>)
      %dma_wait3A_52 = arith.constant 0 : i32
      %dma_wait3A_53 = tpu.memref_slice %arg2[%add3A_32, %dma_wait3A_52] : memref<256x12544xf32, #tpu.memory_space<hbm>> -> memref<1x12544xf32, #tpu.memory_space<hbm>>
      %dma_wait3A_54 = tpu.memref_squeeze %dma_wait3A_53 : memref<1x12544xf32, #tpu.memory_space<hbm>> -> memref<12544xf32, #tpu.memory_space<hbm>>
      %dma_wait3A_55 = arith.constant 0 : i32
      %dma_wait3A_56 = tpu.memref_slice %arg2[%add3A_32, %dma_wait3A_55] : memref<256x12544xf32, #tpu.memory_space<hbm>> -> memref<1x12544xf32, #tpu.memory_space<hbm>>
      %dma_wait3A_57 = tpu.memref_squeeze %dma_wait3A_56 : memref<1x12544xf32, #tpu.memory_space<hbm>> -> memref<12544xf32, #tpu.memory_space<hbm>>
      tpu.wait_dma2 semaphore(%arg10 : memref<!tpu.dma_semaphore, #tpu.memory_space<semaphore_mem>>) src(%dma_wait3A_57 : memref<12544xf32, #tpu.memory_space<hbm>>) dst(%arg8 : memref<12544xf32, #tpu.memory_space<vmem>>)
      %mul3A_58 = arith.constant 100352 : i32
      %mul3A_59 = arith.muli %add3A_32, %mul3A_58 : i32
      %scan3A_60 = arith.constant 0 : i32
      %scan3A_61 = arith.constant 784 : i32
      %scan3A_62 = arith.addi %scan3A_60, %scan3A_61 : i32
      %scan3A_63 = arith.constant 1 : i32
      scf.for %scan3A_82 = %scan3A_60 to %scan3A_62 step %scan3A_63  : i32 {
        %mul3A_83 = arith.constant 16 : i32
        %mul3A_84 = arith.muli %scan3A_82, %mul3A_83 : i32
        %add3A_85 = arith.constant 0 : i32
        %add3A_86 = arith.addi %add3A_85, %mul3A_84 : i32
        %get3A = arith.index_cast %add3A_86 : i32 to index
        %get3A_87 = tpu.vector_load %arg7[%get3A] {strides = array<i32>} : memref<12544xi32, #tpu.memory_space<vmem>>, vector<16xi32>,
        %sub3A_88 = vector.broadcast %mul3A_59 : i32 to vector<16xi32>
        %sub3A_89 = arith.subi %get3A_87, %sub3A_88 : vector<16xi32>
        %get3A_90 = arith.index_cast %add3A_86 : i32 to index
        %get3A_91 = tpu.vector_load %arg8[%get3A_90] {strides = array<i32>} : memref<12544xf32, #tpu.memory_space<vmem>>, vector<16xf32>,
        %lt3A = arith.constant 50176 : i32
        %lt3A_92 = vector.broadcast %lt3A : i32 to vector<16xi32>
        %lt3A_93 = arith.cmpi slt, %sub3A_89, %lt3A_92 : vector<16xi32>
        tpu.vector_store_idx %arg5[%sub3A_89], %get3A_91 masked %lt3A_93 : memref<50176xf32, #tpu.memory_space<vmem>>[vector<16xi32>], vector<16xf32>, vector<16xi1>
      }
      %scan3A_64 = arith.constant 784 : i32
      %dma_start3A_65 = arith.constant 0 : i32
      %dma_start3A_66 = tpu.memref_slice %arg4[%add3A_32, %dma_start3A_65] : memref<256x100352xf32, #tpu.memory_space<hbm>> -> memref<1x50176xf32, #tpu.memory_space<hbm>>
      %dma_start3A_67 = tpu.memref_squeeze %dma_start3A_66 : memref<1x50176xf32, #tpu.memory_space<hbm>> -> memref<50176xf32, #tpu.memory_space<hbm>>
      %dma_start3A_68 = arith.constant 0 : i32
      %dma_start3A_69 = tpu.memref_slice %arg4[%add3A_32, %dma_start3A_68] : memref<256x100352xf32, #tpu.memory_space<hbm>> -> memref<1x50176xf32, #tpu.memory_space<hbm>>
      %dma_start3A_70 = tpu.memref_squeeze %dma_start3A_69 : memref<1x50176xf32, #tpu.memory_space<hbm>> -> memref<50176xf32, #tpu.memory_space<hbm>>
      tpu.enqueue_dma source(%arg5 : memref<50176xf32, #tpu.memory_space<vmem>>) target(%dma_start3A_70 : memref<50176xf32, #tpu.memory_space<hbm>>) target_semaphore(%arg11 : memref<!tpu.dma_semaphore, #tpu.memory_space<semaphore_mem>>)
      %scan3A_71 = arith.constant 0 : i32
      %scan3A_72 = arith.constant 784 : i32
      %scan3A_73 = arith.addi %scan3A_71, %scan3A_72 : i32
      %scan3A_74 = arith.constant 1 : i32
      scf.for %scan3A_82 = %scan3A_71 to %scan3A_73 step %scan3A_74  : i32 {
        %mul3A_83 = arith.constant 16 : i32
        %mul3A_84 = arith.muli %scan3A_82, %mul3A_83 : i32
        %add3A_85 = arith.constant 0 : i32
        %add3A_86 = arith.addi %add3A_85, %mul3A_84 : i32
        %get3A = arith.index_cast %add3A_86 : i32 to index
        %get3A_87 = tpu.vector_load %arg7[%get3A] {strides = array<i32>} : memref<12544xi32, #tpu.memory_space<vmem>>, vector<16xi32>,
        %sub3A_88 = vector.broadcast %mul3A_59 : i32 to vector<16xi32>
        %sub3A_89 = arith.subi %get3A_87, %sub3A_88 : vector<16xi32>
        %get3A_90 = arith.index_cast %add3A_86 : i32 to index
        %get3A_91 = tpu.vector_load %arg8[%get3A_90] {strides = array<i32>} : memref<12544xf32, #tpu.memory_space<vmem>>, vector<16xf32>,
        %ge3A = arith.constant 50176 : i32
        %ge3A_92 = vector.broadcast %ge3A : i32 to vector<16xi32>
        %ge3A_93 = arith.cmpi sge, %sub3A_89, %ge3A_92 : vector<16xi32>
        %sub3A_94 = arith.constant 50176 : i32
        %sub3A_95 = vector.broadcast %sub3A_94 : i32 to vector<16xi32>
        %sub3A_96 = arith.subi %sub3A_89, %sub3A_95 : vector<16xi32>
        %jit3A = arith.constant 0 : i32
        %broadcast_in_dim3A_97 = vector.broadcast %jit3A : i32 to vector<16xi32>
        %select_n3A = arith.select %ge3A_93, %sub3A_96, %broadcast_in_dim3A_97 : vector<16xi1>, vector<16xi32>
        tpu.vector_store_idx %arg6[%select_n3A], %get3A_91 masked %ge3A_93 : memref<50176xf32, #tpu.memory_space<vmem>>[vector<16xi32>], vector<16xf32>, vector<16xi1>
      }
      %scan3A_75 = arith.constant 784 : i32
      %dma_start3A_76 = arith.constant 50176 : i32
      %dma_start3A_77 = tpu.memref_slice %arg4[%add3A_32, %dma_start3A_76] : memref<256x100352xf32, #tpu.memory_space<hbm>> -> memref<1x50176xf32, #tpu.memory_space<hbm>>
      %dma_start3A_78 = tpu.memref_squeeze %dma_start3A_77 : memref<1x50176xf32, #tpu.memory_space<hbm>> -> memref<50176xf32, #tpu.memory_space<hbm>>
      %dma_start3A_79 = arith.constant 50176 : i32
      %dma_start3A_80 = tpu.memref_slice %arg4[%add3A_32, %dma_start3A_79] : memref<256x100352xf32, #tpu.memory_space<hbm>> -> memref<1x50176xf32, #tpu.memory_space<hbm>>
      %dma_start3A_81 = tpu.memref_squeeze %dma_start3A_80 : memref<1x50176xf32, #tpu.memory_space<hbm>> -> memref<50176xf32, #tpu.memory_space<hbm>>
      tpu.enqueue_dma source(%arg6 : memref<50176xf32, #tpu.memory_space<vmem>>) target(%dma_start3A_81 : memref<50176xf32, #tpu.memory_space<hbm>>) target_semaphore(%arg12 : memref<!tpu.dma_semaphore, #tpu.memory_space<semaphore_mem>>)
    }
    %scan3A_12 = arith.constant 8 : i32
    %add3A_13 = arith.constant 8 : i32
    %add3A_14 = arith.addi %mul3A_2, %add3A_13 : i32
    %sub3A = arith.constant 1 : i32
    %sub3A_15 = arith.subi %add3A_14, %sub3A : i32
    %dma_wait3A = arith.constant 0 : i32
    %dma_wait3A_16 = tpu.memref_slice %arg4[%sub3A_15, %dma_wait3A] : memref<256x100352xf32, #tpu.memory_space<hbm>> -> memref<1x50176xf32, #tpu.memory_space<hbm>>
    %dma_wait3A_17 = tpu.memref_squeeze %dma_wait3A_16 : memref<1x50176xf32, #tpu.memory_space<hbm>> -> memref<50176xf32, #tpu.memory_space<hbm>>
    %dma_wait3A_18 = arith.constant 0 : i32
    %dma_wait3A_19 = tpu.memref_slice %arg4[%sub3A_15, %dma_wait3A_18] : memref<256x100352xf32, #tpu.memory_space<hbm>> -> memref<1x50176xf32, #tpu.memory_space<hbm>>
    %dma_wait3A_20 = tpu.memref_squeeze %dma_wait3A_19 : memref<1x50176xf32, #tpu.memory_space<hbm>> -> memref<50176xf32, #tpu.memory_space<hbm>>
    tpu.wait_dma2 semaphore(%arg11 : memref<!tpu.dma_semaphore, #tpu.memory_space<semaphore_mem>>) src(%arg5 : memref<50176xf32, #tpu.memory_space<vmem>>) dst(%dma_wait3A_20 : memref<50176xf32, #tpu.memory_space<hbm>>)
    %dma_wait3A_21 = arith.constant 50176 : i32
    %dma_wait3A_22 = tpu.memref_slice %arg4[%sub3A_15, %dma_wait3A_21] : memref<256x100352xf32, #tpu.memory_space<hbm>> -> memref<1x50176xf32, #tpu.memory_space<hbm>>
    %dma_wait3A_23 = tpu.memref_squeeze %dma_wait3A_22 : memref<1x50176xf32, #tpu.memory_space<hbm>> -> memref<50176xf32, #tpu.memory_space<hbm>>
    %dma_wait3A_24 = arith.constant 50176 : i32
    %dma_wait3A_25 = tpu.memref_slice %arg4[%sub3A_15, %dma_wait3A_24] : memref<256x100352xf32, #tpu.memory_space<hbm>> -> memref<1x50176xf32, #tpu.memory_space<hbm>>
    %dma_wait3A_26 = tpu.memref_squeeze %dma_wait3A_25 : memref<1x50176xf32, #tpu.memory_space<hbm>> -> memref<50176xf32, #tpu.memory_space<hbm>>
    tpu.wait_dma2 semaphore(%arg12 : memref<!tpu.dma_semaphore, #tpu.memory_space<semaphore_mem>>) src(%arg6 : memref<50176xf32, #tpu.memory_space<vmem>>) dst(%dma_wait3A_26 : memref<50176xf32, #tpu.memory_space<hbm>>)
    return
  }
}

</mosaic_0001>

<sc_bundles>
// kernel: kernel.3.cloned.1.call-start
scs
__scs_entry_jumppad:
0x0: {  	(pc) =	sbr.rel $0x88, $3  }
0x1: {  	(tag) =	ssettag $0x0;
	lr =	simm.s32 $0x1  }
0x2: {  	[smem:$0x3F9F] =	sst lr;
	_ =	strace $0xD0000000  }
0x3: {  	_ = 	snop  }
0x4: {  	_ = 	snop  }
0x5: {  	_ = 	snop  }
0x6: {  	_ = 	snop  }
0x7: {  	_ = 	snop  }
__scs_overlays_trampoline_lowered:
0x8: {  	[smem:$0x3FAE] =	sst s0  }
0x9: {  	[smem:$0x3FAF] =	sst s1  }
0xa: {  	[smem:$0x3FB0] =	sst s2  }
0xb: {  	[smem:$0x3FB1] =	sst s3  }
0xc: {  	[smem:$0x3FB2] =	sst s4  }
0xd: {  	[smem:$0x3FB3] =	sst s5  }
0xe: {  	[smem:$0x3FB4] =	sst s6  }
0xf: {  	[smem:$0x3FB5] =	sst s7  }
0x10: {  	[smem:$0x3FB6] =	sst s8  }
0x11: {  	[smem:$0x3FB7] =	sst s9;
	s0 =	simm.s32 @!p0 $0x0  }
0x12: {  	s1 =	sld [smem:$0x3F9D];
	s0 =	simm.s32 @p0 $0x1  }
0x13: {  	[smem:$0x3FB8] =	sst s0;
	s0 =	simm.s32 @!p1 $0x0  }
0x14: {  	s2 =	sld [smem:$0x3F9C];
	s0 =	simm.s32 @p1 $0x1  }
0x15: {  	[smem:$0x3FB9] =	sst s0;
	s0 =	simm.s32 @!p2 $0x0  }
0x16: {  	s3 =	sld [smem:$0x3FDB];
	s0 =	simm.s32 @p2 $0x1  }
0x17: {  	s4 =	simm.s32 $0x1BF5;
	[smem:$0x3FBB] =	sst s0  }
0x18: {  	s0 =	sld [smem:$0x3F9E];
	_ =	swait.ge [sflag:s4], $0x0  }
0x19: {  	s7 =	sld [smem:$0x3F9F]  }
0x1a: {  	s8 =	sadd.s32 $0xFFFFE003, lr  }
0x1b: {  	s9 =	sadd.s32 $0xFFFFFEF7, lr;
	s5 =	simm.s32 $0xFFFFFFFF;
	p2 =	slt.u32 s8, $0xFFFFF086  }
0x1c: {  	p1 =	slt.u32 s9, $0xF7A;
	s5 =	simm.s32 @!p2 $0x0  }
0x1d: {  	s5 =	simm.s32 @p1 $0x1;
	p0 =	seq.s32 s7, s2  }
0x1e: {  	s7 =	smul.u32 @!p0 $0xF7A, s2;
	p2 =	seq.s32 @!p0 s5, $0x0  }
0x1f: {  	s9 =	smul.u32 $0xF7A, s1;
	s8 =	simm.s32 @!p0 $0x1BF5;
	p2 =	por !p2, p0  }
0x20: {  	[sflag:s8] =	ssyncset.s32 @!p0 $0xFFFFF086;
	s6 =	sadd.s32 @!p0 s3, s7;
	s7 =	simm.s32 @!p0 $0x108  }
0x21: {  	s3 =	sadd.s32 s3, s9;
	s6 =	sadd.s32 @!p0 $0x88, s6;
	s7 =	simm.s32 @p2 $0x1082  }
0x22: {  	[simem:s7], [sflag:s8] =	dma.local @!p0 [hbm:s6], $0xF7A  }
0x23: {  	s9 =	sor.u32 $0xD0000000, s2;
	s6 =	simm.s32 $0x108;
	_ =	swait.ge @!p0 [sflag:s8], $0x0  }
0x24: {  	s3 =	sadd.s32 $0x88, s3;
	s6 =	simm.s32 @!p1 $0x1082;
	[sflag:s4] =	ssyncset.s32 $0xFFFFF086  }
0x25: {  	[simem:s6], [sflag:s4] =	dma.local [hbm:s3], $0xF7A  }
0x26: {  	[smem:$0x3F9F] =	sst s1;
	(tag) =	ssettag s2;
	_ =	strace s9  }
0x27: {  	s1 =	sld [smem:$0x3FAF]  }
0x28: {  	s2 =	sld [smem:$0x3FB0]  }
0x29: {  	s4 =	sld [smem:$0x3FB2]  }
0x2a: {  	p0 =	seq.s32 s5, $0x0;
	s5 =	sld [smem:$0x3FB3]  }
0x2b: {  	s6 =	sld [smem:$0x3FB4]  }
0x2c: {  	s7 =	sld [smem:$0x3FB5]  }
0x2d: {  	s3 =	simm.s32 $0x108;
	s8 =	sld [smem:$0x3FB6]  }
0x2e: {  	s3 =	simm.s32 @!p0 $0x1082;
	s9 =	sld [smem:$0x3FB7]  }
0x2f: {  	lr =	sadd.s32 s0, s3;
	s0 =	sld [smem:$0x3FAE]  }
0x30: {  	s3 =	sld [smem:$0x3FB1]  }
0x31: {  	[smem:$0x3FBA] =	sst s10  }
0x32: {  	s10 =	sld [smem:$0x3FB8];
	_ =	sdelay $0x3  }
0x33: {  	p0 =	seq.s32 s10, $0x1;
	s10 =	sld [smem:$0x3FBA];
	_ =	sdelay $0x3  }
0x34: {  	[smem:$0x3FBA] =	sst s10  }
0x35: {  	s10 =	sld [smem:$0x3FB9];
	_ =	sdelay $0x3  }
0x36: {  	p1 =	seq.s32 s10, $0x1;
	s10 =	sld [smem:$0x3FBA];
	_ =	sdelay $0x3  }
0x37: {  	[smem:$0x3FBA] =	sst s10  }
0x38: {  	s10 =	sld [smem:$0x3FBB]  }
0x39: {  	_ = 	snop;
	(pc) =	sbr.ind lr, $3  }
0x3a: {  	_ = 	snop  }
0x3b: {  	_ = 	snop  }
0x3c: {  	p2 =	seq.s32 s10, $0x1;
	s10 =	sld [smem:$0x3FBA]  }
0x3d: {  	_ =	shalt  }
0x3e: {  	_ =	shalt  }
0x3f: {  	_ =	shalt  }
0x40: {  	_ =	shalt  }
0x41: {  	_ =	shalt  }
0x42: {  	_ =	shalt  }
0x43: {  	_ =	shalt  }
0x44: {  	_ =	shalt  }
0x45: {  	_ =	shalt  }
0x46: {  	_ =	shalt  }
0x47: {  	_ =	shalt  }
0x48: {  	_ =	shalt  }
0x49: {  	_ =	shalt  }
0x4a: {  	_ =	shalt  }
0x4b: {  	_ =	shalt  }
0x4c: {  	_ =	shalt  }
0x4d: {  	_ =	shalt  }
0x4e: {  	_ =	shalt  }
0x4f: {  	_ =	shalt  }
0x50: {  	_ =	shalt  }
0x51: {  	_ =	shalt  }
0x52: {  	_ =	shalt  }
0x53: {  	_ =	shalt  }
0x54: {  	_ =	shalt  }
0x55: {  	_ =	shalt  }
0x56: {  	_ =	shalt  }
0x57: {  	_ =	shalt  }
0x58: {  	_ =	shalt  }
0x59: {  	_ =	shalt  }
0x5a: {  	_ =	shalt  }
0x5b: {  	_ =	shalt  }
0x5c: {  	_ =	shalt  }
0x5d: {  	_ =	shalt  }
0x5e: {  	_ =	shalt  }
0x5f: {  	_ =	shalt  }
0x60: {  	_ =	shalt  }
0x61: {  	_ =	shalt  }
0x62: {  	_ =	shalt  }
0x63: {  	_ =	shalt  }
0x64: {  	_ =	shalt  }
0x65: {  	_ =	shalt  }
0x66: {  	_ =	shalt  }
0x67: {  	_ =	shalt  }
0x68: {  	_ =	shalt  }
0x69: {  	_ =	shalt  }
0x6a: {  	_ =	shalt  }
0x6b: {  	_ =	shalt  }
0x6c: {  	_ =	shalt  }
0x6d: {  	_ =	shalt  }
0x6e: {  	_ =	shalt  }
0x6f: {  	_ =	shalt  }
0x70: {  	_ =	shalt  }
0x71: {  	_ =	shalt  }
0x72: {  	_ =	shalt  }
0x73: {  	_ =	shalt  }
0x74: {  	_ =	shalt  }
0x75: {  	_ =	shalt  }
0x76: {  	_ =	shalt  }
0x77: {  	_ =	shalt  }
0x78: {  	_ =	shalt  }
0x79: {  	_ =	shalt  }
0x7a: {  	_ =	shalt  }
0x7b: {  	_ =	shalt  }
0x7c: {  	_ =	shalt  }
0x7d: {  	_ =	shalt  }
0x7e: {  	_ =	shalt  }
0x7f: {  	_ =	shalt  }
0x80: {  	_ =	shalt  }
0x81: {  	_ =	shalt  }
0x82: {  	_ =	shalt  }
0x83: {  	_ =	shalt  }
0x84: {  	_ =	shalt  }
0x85: {  	_ =	shalt  }
0x86: {  	_ =	shalt  }
0x87: {  	_ =	shalt  }
.Lfunc_end0:
.L_simem_size_0:
called_computation.1_lowered:
.L_overlay_start_0:
0x88: {  	s2 =	sld [smem:$0x3FD9]  }
0x89: {  	s3 =	sld [smem:$0x3FFE];
	_ =	sdelay $0x1  }
0x8a: {  	s1 =	srdreg.scid  }
0x8b: {  	s0 =	sand.u32 $0x1, s1  }
0x8c: {  	s17 =	sshll.u32 s0, $0xA;
	s2 =	sadd.s32 s3, s2  }
0x8d: {  	s2 =	sadd.s32 s2, s17  }
0x8e: {  	[smem:$0x3FC6] =	sst s2  }
0x8f: {  	_ = 	snop  }
0x90: {  	s2 =	sld [smem:$0x3FD0];
	(tm) =	ssettm $0x1  }
0x91: {  	s18 =	sld [smem:$0x3FFB];
	_ =	sdelay $0x3  }
0x92: {  	_ =	strace s18  }
0x93: {  	s3 =	sld [smem:$0x3FFC];
	_ =	sdelay $0x3  }
0x94: {  	_ =	strace s3  }
0x95: {  	s3 =	sld [smem:$0x3FFD];
	_ =	sdelay $0x3  }
0x96: {  	_ =	strace s3  }
0x97: {  	_ =	strace $0x8FFFFFFF  }
0x98: {  	s19 =	sld [smem:$0x3FDB];
	_ =	sdelay $0x1  }
0x99: {  	s4 =	simm.s32 $_scs_section_size  }
0x9a: {  	s5 =	simm.s32 $_size__tile_overlayer_lowered;
	s6 =	simm.s32 $_tile_overlayer_lowered  }
0x9b: {  	s22 =	simm.s32 $0x1BFF;
	s21 =	sshll.u32 s6, $0x1;
	s3 =	sadd.s32 s4, s19  }
0x9c: {  	s7 =	simm.s32 $0x0;
	s20 =	sshll.u32 s5, $0x1;
	s5 =	sadd.s32 s21, s3  }
0x9d: {  	[timem:s7], [sflag:s22] =	dma.local [hbm:s5], s20  }
0x9e: {  	_ =	swait.ge [sflag:s22], s20  }
0x9f: {  	s4 =	ssub.s32 $0x0, s20;
	[sflag:s22] =	ssyncset.done $0x0  }
0xa0: {  	[sflag:s22] =	ssyncadd.s32 s4;
	_ =	sdelay $0x1  }
0xa1: {  	s23 =	simm.s32 $0x1B8B  }
0xa2: {  	_ =	swait.ge [sflag:s23], $0x1  }
0xa3: {  	[sflag:s23] =	ssyncset.done $0x0  }
0xa4: {  	s25 =	simm.s32 $0x1B8E;
	s24 =	sld [smem:$0x3FFE];
	[sflag:s23] =	ssyncadd.s32 $0xFFFFFFFF  }
0xa5: {  	s26 =	simm.s32 $execute0_lowered;
	[smem:$0x3FD2] =	sst s25  }
0xa6: {  	s5 =	sshll.u32 s26, $0x1;
	_ =	strace $0x80000046;
	[dreg:$0x1] =	wrdreg $0xFFFFFFFF  }
0xa7: {  	s28 =	simm.s32 $_size_execute0_lowered;
	s3 =	sadd.s32 s3, s5;
	[dreg:$0x0] =	wrdreg $0x0  }
0xa8: {  	s5 =	sshll.u32 s28, $0x1;
	[dreg:$0x2] =	wrdreg s3  }
0xa9: {  	[dreg:$0x3] =	wrdreg s5  }
0xaa: {  	[dreg:$0x4] =	wrdreg $0xC0  }
0xab: {  	_ =	task [dreg:s7], $0x5FFFF  }
0xac: {  	[dreg:$0x1] =	wrdreg $0xFFFFFFFF  }
0xad: {  	[dreg:$0x0] =	wrdreg $0x60  }
0xae: {  	[dreg:$0x2] =	wrdreg s24  }
0xaf: {  	[dreg:$0x3] =	wrdreg s2  }
0xb0: {  	[dreg:$0x4] =	wrdreg $0x9  }
0xb1: {  	_ =	task.clear_ibuf [dreg:s7], $0x5FFFF;
	_ =	strace $0x90000046  }
0xb2: {  	s29 =	simm.s32 $0x9;
	_ =	strace $0x80000048  }
0xb3: {  	_ =	swait.ge [sflag:s29], $0x1  }
0xb4: {  	[sflag:s29] =	ssyncadd.s32 $0xFFFFFFFF  }
0xb5: {  	_ =	strace $0x90000048  }
0xb6: {  	_ =	sfence  }
0xb7: {  	s30 =	sld [smem:$0x0];
	_ =	sdelay $0x2  }
0xb8: {  	s31 =	sshll.u32 s1, $0xD;
	s1 =	sshrl.u32 s1, $0x2  }
0xb9: {  	s3 =	sand.u32 $0x4000, s31;
	s1 =	sadd.s32 s1, s30  }
0xba: {  	s0 =	sor.u32 s3, s0;
	s1 =	sshll.u32 s1, $0x11  }
0xbb: {  	s0 =	sor.u32 s1, s0  }
0xbc: {  	s0 =	sadd.s32 $0x8F2B, s0  }
0xbd: {  	[sflag:s0] =	ssyncadd.remote.s32 $0x1  }
0xbe: {  	_ =	sfence.sel $0xFFFF  }
0xbf: {  	[dreg:$0x0] =	wrdreg $0xFFFFFFFF;
	(pc) =	sbr.abs _section_cstart, $3  }
0xc0: {  	[dreg:$0x1] =	wrdreg $0xFFFFFFFF  }
0xc1: {  	_ =	task.clear_ibuf [dreg:s7], $0x2FFFF;
	_ =	strace $0x9FFFFFFF  }
0xc2: {  	(tm) =	ssettm $0x7FFFFFFF  }
0xc3: {  	_ =	shalt  }
tec
execute0_lowered:
.L_overlay_start_1:
0x0: {  	(tag) =	ssettag $0x1  }
0x1: {  	s7 =	rddreg [dreg:$0x0]  }
0x2: {  	s2 =	rddreg [dreg:$0x1];
	s3 =	srdreg.scid  }
0x3: {  	s0 =	rddreg [dreg:$0x2];
	s1 =	stileid.u32  }
0x4: {  	s11 =	simm.s32 $0x80;
	s12 =	simm.s32 $0x400;
	s13 =	simm.s32 $0x18800  }
0x5: {  	s14 =	simm.s32 $0x1B900;
	s15 =	simm.s32 $0x1;
	s16 =	simm.s32 $0x2  }
0x6: {  	s17 =	simm.s32 $0xC400;
	s18 =	simm.s32 $0x3;
	s5 =	sand.u32 $0x1, s3  }
0x7: {  	s19 =	simm.s32 $0x4;
	s4 =	sshll.u32 s1, $0x4;
	s6 =	sshll.u32 s5, $0x3  }
0x8: {  	s20 =	simm.s32 $0x0;
	s3 =	simm.s32 $0x0;
	s4 =	sor.u32 s6, s4  }
0x9: {  	[smem:$0x7FF] =	sst s3;
	s8 =	ssub.s32 $0x2, s5;
	s9 =	sshrl.u32 s4, $0x3  }
0xa: {  	s5 =	sadd.s32 $0x62200, s7;
	s10 =	sshrl.u32 s8, $0x1;
	s6 =	smul.u32 $0xC4000, s9  }
0xb: {  	s7 =	sadd.s32 $0x200, s7;
	_ =	strace $0x80000047;
	s10 =	ssub.s32 s8, s10  }
0xc: {  	v0 =	vimm.f32 $0.0e+00;
	s8 =	smul.u32 $0x18800, s9;
	s10 =	smax.u32 s10, $0x1;
	s9 =	sadd.s32 $0x62000, s6  }
.LBB2_1:
0xd: {  	s21 =	simm.s32 $0x0  }
.LBB2_2:
0xe: {  	p0 =	sne.s32 s21, $0x30FC0  }
.Ltmp0:
0xf: {  	_ = 	snop;
	(pc) =	sbr.rel @p0 .LBB2_2-.Ltmp0, $4  }
0x10: {  	_ = 	snop  }
0x11: {  	s22 =	sshra.s32 s21, $0x2  }
0x12: {  	[tilespmem:s22+$0x0] =	vst v0  }
0x13: {  	s21 =	sadd.s32 $0x40, s21;
	[tilespmem:s22+$0xC400] =	vst v0  }
0x14: {  	s21 =	simm.s32 $0x0  }
.LBB2_4:
0x15: {  	p0 =	seq.s32 s21, $0x0  }
.Ltmp1:
0x16: {  	_ = 	snop;
	(pc) =	sbr.rel @p0 .LBB2_10-.Ltmp1, $3  }
0x17: {  	_ =	sdelay $0x1  }
0x18: {  	s22 =	sor.u32 s4, s21  }
0x19: {  	s22 =	smul.u32 $0x18800, s22  }
0x1a: {  	_ =	swait.ge [sflag:s19], $0xC400  }
0x1b: {  	s23 =	sadd.s32 $0xFFFE7800, s22;
	[sflag:s19] =	ssyncset.done $0x0  }
0x1c: {  	s24 =	simm.s32 $0x0;
	[sflag:s19] =	ssyncadd.s32 $0xFFFF3C00;
	v1 =	vmov s23;
	s23 =	simm.s32 $0x40  }
.LBB2_6:
0x1d: {  	p0 =	sne.s32 s23, $0xC3C0;
	v2 =	vld [tilespmem:s24+$0x18800];
	_ =	sdelay $0x4  }
0x1e: {  	v2 =	vsub.s32 v2, v1  }
0x1f: {  	vm0 =	vgt.s32 v2, $0xC400  }
0x20: {  	vm1 =	vgt.s32 v2, $0xC3FF;
	v2 =	vnsel vm0, $0xC400, v2  }
0x21: {  	v2 =	vadd.s32 $0xFFFF3C00, v2  }
.Ltmp2:
0x22: {  	(pc) =	sbr.rel @p0 .LBB2_6-.Ltmp2, $2  }
0x23: {  	_ =	sdelay $0x2  }
0x24: {  	s24 =	sshra.s32 s23, $0x2;
	s23 =	sadd.s32 $0x40, s23;
	[tilespmem:v2+s17+$0x0] =	vst.idx.msk vm1, v0  }
0x25: {  	v2 =	vld [tilespmem:s24+$0x18800];
	_ =	sdelay $0x4  }
0x26: {  	v2 =	vsub.s32 v2, v1  }
0x27: {  	vm0 =	vgt.s32 v2, $0xC400  }
0x28: {  	vm1 =	vgt.s32 v2, $0xC3FF;
	v2 =	vnsel vm0, $0xC400, v2  }
0x29: {  	v2 =	vadd.s32 $0xFFFF3C00, v2;
	_ =	sdelay $0x4  }
0x2a: {  	[tilespmem:v2+s17+$0x0] =	vst.idx.msk vm1, v0  }
0x2b: {  	_ =	swait.ge [sflag:s18], $0xC400  }
0x2c: {  	[sflag:s18] =	ssyncset.done $0x0  }
0x2d: {  	s24 =	simm.s32 $0x0;
	s23 =	simm.s32 $0x40;
	[sflag:s18] =	ssyncadd.s32 $0xFFFF3C00  }
.LBB2_8:
0x2e: {  	p0 =	sne.s32 s23, $0xC3C0;
	v2 =	vld [tilespmem:s24+$0x18800];
	_ =	sdelay $0x4  }
0x2f: {  	v3 =	vsub.s32 v2, v1  }
0x30: {  	v2 =	vand.u32 $0x7F, v2;
	vm0 =	vlt.s32 v3, $0xC400;
	v3 =	vand.u32 $0xFFFFFF80, v3  }
0x31: {  	v2 =	vor.u32 v2, v3  }
.Ltmp3:
0x32: {  	(pc) =	sbr.rel @p0 .LBB2_8-.Ltmp3, $2  }
0x33: {  	_ =	sdelay $0x2  }
0x34: {  	s24 =	sshra.s32 s23, $0x2;
	s23 =	sadd.s32 $0x40, s23;
	[tilespmem:v2+s3+$0x0] =	vst.idx.msk vm0, v0  }
0x35: {  	v2 =	vld [tilespmem:s24+$0x18800];
	_ =	sdelay $0x4  }
0x36: {  	v1 =	vsub.s32 v2, v1  }
0x37: {  	v2 =	vand.u32 $0x7F, v2;
	vm0 =	vlt.s32 v1, $0xC400;
	v1 =	vand.u32 $0xFFFFFF80, v1  }
0x38: {  	v1 =	vor.u32 v2, v1;
	_ =	sdelay $0x4  }
0x39: {  	[tilespmem:v1+s3+$0x0] =	vst.idx.msk vm0, v0  }
.LBB2_10:
0x3a: {  	s23 =	sshll.u32 s21, $0x7  }
0x3b: {  	s24 =	sadd.s32 s8, s23  }
0x3c: {  	s24 =	sshrl.u32 s24, $0x3  }
0x3d: {  	s25 =	sadd.s32 s7, s24  }
0x3e: {  	[tilespmem:s13], [sflag:$0x1] =	stream.strided.gather [hbm4b:s25+s11], $0x3100, s12, s11, $0x38;
	[tilespmem:$0x1EA00] =	vst v63  }
0x3f: {  	s24 =	sadd.s32 s5, s24  }
0x40: {  	[tilespmem:s14], [sflag:$0x2] =	stream.strided.gather [hbm4b:s24+s11], $0x3100, s12, s11, $0x38;
	[tilespmem:$0x1EA00] =	vst v63  }
0x41: {  	_ =	swait.ge [sflag:s15], $0x3100  }
0x42: {  	[sflag:s15] =	ssyncset.done $0x0  }
0x43: {  	[sflag:s15] =	ssyncadd.s32 $0xFFFFCF00  }
0x44: {  	_ =	swait.ge [sflag:s16], $0x3100  }
0x45: {  	[sflag:s16] =	ssyncset.done $0x0  }
0x46: {  	v1 =	vmov s22;
	s22 =	simm.s32 $0x0;
	s24 =	simm.s32 $0x40;
	[sflag:s16] =	ssyncadd.s32 $0xFFFFCF00  }
.LBB2_11:
0x47: {  	p0 =	sne.s32 s24, $0xC3C0;
	v2 =	vld [tilespmem:s22+$0x18800];
	_ =	sdelay $0x4  }
0x48: {  	v3 =	vsub.s32 v2, v1  }
0x49: {  	v2 =	vand.u32 $0x7F, v2;
	vm0 =	vlt.s32 v3, $0xC400;
	v3 =	vand.u32 $0xFFFFFF80, v3  }
0x4a: {  	v4 =	vld [tilespmem:s22+$0x1B900];
	v2 =	vor.u32 v2, v3  }
.Ltmp4:
0x4b: {  	(pc) =	sbr.rel @p0 .LBB2_11-.Ltmp4, $2  }
0x4c: {  	_ =	sdelay $0x2  }
0x4d: {  	s22 =	sshra.s32 s24, $0x2;
	s24 =	sadd.s32 $0x40, s24;
	[tilespmem:v2+s3+$0x0] =	vst.idx.msk vm0, v4  }
0x4e: {  	v2 =	vld [tilespmem:s22+$0x18800];
	_ =	sdelay $0x4  }
0x4f: {  	v3 =	vsub.s32 v2, v1  }
0x50: {  	v2 =	vand.u32 $0x7F, v2;
	vm0 =	vlt.s32 v3, $0xC400;
	v3 =	vand.u32 $0xFFFFFF80, v3  }
0x51: {  	v4 =	vld [tilespmem:s22+$0x1B900];
	v2 =	vor.u32 v2, v3;
	_ =	sdelay $0x2  }
0x52: {  	s31 =	sor.u32 s6, s23  }
0x53: {  	s22 =	sshrl.u32 s31, $0x3  }
0x54: {  	s24 =	simm.s32 $0x0;
	s22 =	sadd.s32 s2, s22;
	[tilespmem:v2+s3+$0x0] =	vst.idx.msk vm0, v4  }
0x55: {  	[hbm4b:s22+s11] =	stream.strided.scatter [tilespmem:s24], [sflag:$0x3], $0xC400, s12, s11, $0x38;
	[tilespmem:$0x1EA00] =	vst v63  }
0x56: {  	s22 =	simm.s32 $0x0;
	s24 =	simm.s32 $0x40  }
.LBB2_13:
0x57: {  	p0 =	sne.s32 s24, $0xC3C0;
	v2 =	vld [tilespmem:s22+$0x18800];
	_ =	sdelay $0x4  }
0x58: {  	v2 =	vsub.s32 v2, v1  }
0x59: {  	vm0 =	vgt.s32 v2, $0xC400  }
0x5a: {  	vm1 =	vgt.s32 v2, $0xC3FF;
	v2 =	vnsel vm0, $0xC400, v2  }
0x5b: {  	v3 =	vld [tilespmem:s22+$0x1B900];
	v2 =	vadd.s32 $0xFFFF3C00, v2  }
.Ltmp5:
0x5c: {  	(pc) =	sbr.rel @p0 .LBB2_13-.Ltmp5, $2  }
0x5d: {  	_ =	sdelay $0x2  }
0x5e: {  	s22 =	sshra.s32 s24, $0x2;
	s24 =	sadd.s32 $0x40, s24;
	[tilespmem:v2+s17+$0x0] =	vst.idx.msk vm1, v3  }
0x5f: {  	v2 =	vld [tilespmem:s22+$0x18800];
	_ =	sdelay $0x4  }
0x60: {  	v1 =	vsub.s32 v2, v1  }
0x61: {  	vm0 =	vgt.s32 v1, $0xC400  }
0x62: {  	vm1 =	vgt.s32 v1, $0xC3FF;
	v1 =	vnsel vm0, $0xC400, v1  }
0x63: {  	s21 =	sadd.s32 $0x1, s21;
	v2 =	vld [tilespmem:s22+$0x1B900];
	v1 =	vadd.s32 $0xFFFF3C00, v1  }
0x64: {  	p0 =	sne.s32 s21, $0x8  }
.Ltmp6:
0x65: {  	_ = 	snop;
	(pc) =	sbr.rel @p0 .LBB2_4-.Ltmp6, $4  }
0x66: {  	s31 =	sadd.s32 s9, s23  }
0x67: {  	s22 =	sshrl.u32 s31, $0x3  }
0x68: {  	s22 =	sadd.s32 s2, s22;
	[tilespmem:v1+s17+$0x0] =	vst.idx.msk vm1, v2  }
0x69: {  	[hbm4b:s22+s11] =	stream.strided.scatter [tilespmem:s17], [sflag:$0x4], $0xC400, s12, s11, $0x38;
	[tilespmem:$0x1EA00] =	vst v63  }
0x6a: {  	s20 =	sadd.s32 $0x1, s20  }
0x6b: {  	_ =	swait.ge [sflag:s18], $0xC400;
	p0 =	sne.s32 s20, s10  }
.Ltmp7:
0x6c: {  	[sflag:s18] =	ssyncset.done $0x0;
	(pc) =	sbr.rel @p0 .LBB2_1-.Ltmp7, $4  }
0x6d: {  	[sflag:s18] =	ssyncadd.s32 $0xFFFF3C00  }
0x6e: {  	_ =	swait.ge [sflag:s19], $0xC400  }
0x6f: {  	[sflag:s19] =	ssyncset.done $0x0  }
0x70: {  	[sflag:s19] =	ssyncadd.s32 $0xFFFF3C00  }
0x71: {  	_ =	sfence.sel $0x180000  }
0x72: {  	[bflag:$0x0] =	sbarrier.arrive $0xFFFF  }
0x73: {  	p0 =	sne.s32 s1, $0x0;
	_ =	strace $0x90000047  }
0x74: {  	s0 =	sadd.s32 @!p0 $0x100000, s0;
	[bflag:$0x2] =	sbarrier.arrive $0xFFFF  }
0x75: {  	[sflag:s0] =	ssyncadd.tile.s32 @!p0 $0x1;
	_ =	shalt  }
.Lfunc_end2:
_tile_overlayer_lowered:
.L_overlay_start_2:
0x76: {  	(tag) =	ssettag $0x2  }
0x77: {  	s0 =	rddreg [dreg:$0x0];
	s2 =	stileid.u32  }
0x78: {  	s1 =	rddreg [dreg:$0x1];
	p0 =	sne.s32 s2, $0x0  }
0x79: {  	s3 =	rddreg [dreg:$0x2];
	[bflag:$0x3] =	sbarrier.arrive $0xFFFF;
	s2 =	simm.s32 @!p0 $0x1C05  }
0x7a: {  	[timem:s3], [sflag:s2] =	dma.local @!p0 [hbm:s0], s1  }
0x7b: {  	s0 =	simm.s32 @!p0 $0x5  }
0x7c: {  	_ =	swait.ge @!p0 [sflag:s0], s1  }
0x7d: {  	s1 =	ssub.s32 @!p0 $0x0, s1;
	[sflag:s0] =	ssyncset.done @!p0 $0x0  }
0x7e: {  	[sflag:s0] =	ssyncadd.s32 @!p0 s1  }
0x7f: {  	[bflag:$0x3] =	sbarrier.arrive $0xFFFF  }
0x80: {  	_ =	shalt  }

// kernel: sparse-core-data-format-call.cloned.1.call-start
scs
called_computation_lowered:
.L_overlay_start_0:
0x0: {  	s2 =	sld [smem:$0x3FD9]  }
0x1: {  	s3 =	sld [smem:$0x3FFE];
	_ =	sdelay $0x1  }
0x2: {  	s1 =	srdreg.scid  }
0x3: {  	s0 =	sand.u32 $0x1, s1  }
0x4: {  	s18 =	sshll.u32 s0, $0xA;
	s2 =	sadd.s32 s3, s2  }
0x5: {  	s2 =	sadd.s32 s2, s18  }
0x6: {  	[smem:$0x3FC6] =	sst s2  }
0x7: {  	_ = 	snop  }
0x8: {  	s2 =	sld [smem:$0x3FD0];
	(tm) =	ssettm $0x1  }
0x9: {  	s19 =	sld [smem:$0x3FFB];
	_ =	sdelay $0x3  }
0xa: {  	_ =	strace s19  }
0xb: {  	s3 =	sld [smem:$0x3FFC];
	_ =	sdelay $0x3  }
0xc: {  	_ =	strace s3  }
0xd: {  	s3 =	sld [smem:$0x3FFD];
	_ =	sdelay $0x3  }
0xe: {  	_ =	strace s3  }
0xf: {  	_ =	strace $0x8FFFFFFF  }
0x10: {  	s20 =	sld [smem:$0x3FDB];
	_ =	sdelay $0x1  }
0x11: {  	s4 =	simm.s32 $_scs_section_size  }
0x12: {  	s5 =	simm.s32 $_size__tile_overlayer_lowered;
	s6 =	simm.s32 $_tile_overlayer_lowered  }
0x13: {  	s23 =	simm.s32 $0x1BFF;
	s22 =	sshll.u32 s6, $0x1;
	s3 =	sadd.s32 s4, s20  }
0x14: {  	s7 =	simm.s32 $0x0;
	s21 =	sshll.u32 s5, $0x1;
	s5 =	sadd.s32 s22, s3  }
0x15: {  	[timem:s7], [sflag:s23] =	dma.local [hbm:s5], s21  }
0x16: {  	_ =	swait.ge [sflag:s23], s21  }
0x17: {  	s4 =	ssub.s32 $0x0, s21;
	[sflag:s23] =	ssyncset.done $0x0  }
0x18: {  	[sflag:s23] =	ssyncadd.s32 s4;
	_ =	sdelay $0x1  }
0x19: {  	s24 =	simm.s32 $0x1B8B  }
0x1a: {  	_ =	swait.ge [sflag:s24], $0x1  }
0x1b: {  	[sflag:s24] =	ssyncset.done $0x0  }
0x1c: {  	s26 =	simm.s32 $0x1B8E;
	s25 =	sld [smem:$0x3FFE];
	[sflag:s24] =	ssyncadd.s32 $0xFFFFFFFF  }
0x1d: {  	s27 =	simm.s32 $execute0_lowered;
	[smem:$0x3FD2] =	sst s26  }
0x1e: {  	s5 =	sshll.u32 s27, $0x1;
	_ =	strace $0x80000049;
	[dreg:$0x1] =	wrdreg $0xFFFFFFFF  }
0x1f: {  	s28 =	simm.s32 $_size_execute0_lowered;
	s3 =	sadd.s32 s3, s5;
	[dreg:$0x0] =	wrdreg $0x0  }
0x20: {  	s5 =	sshll.u32 s28, $0x1;
	[dreg:$0x2] =	wrdreg s3  }
0x21: {  	[dreg:$0x3] =	wrdreg s5  }
0x22: {  	[dreg:$0x4] =	wrdreg $0xC0  }
0x23: {  	_ =	task [dreg:s7], $0x5FFFF  }
0x24: {  	[dreg:$0x1] =	wrdreg $0xFFFFFFFF  }
0x25: {  	[dreg:$0x0] =	wrdreg $0x60  }
0x26: {  	[dreg:$0x2] =	wrdreg s25  }
0x27: {  	[dreg:$0x3] =	wrdreg s2  }
0x28: {  	[dreg:$0x4] =	wrdreg $0x9  }
0x29: {  	_ =	task.clear_ibuf [dreg:s7], $0x5FFFF;
	_ =	strace $0x90000049  }
0x2a: {  	s29 =	simm.s32 $0x9;
	_ =	strace $0x8000004B  }
0x2b: {  	_ =	swait.ge [sflag:s29], $0x1  }
0x2c: {  	[sflag:s29] =	ssyncadd.s32 $0xFFFFFFFF  }
0x2d: {  	_ =	strace $0x9000004B  }
0x2e: {  	_ =	sfence  }
0x2f: {  	s30 =	sld [smem:$0x0];
	_ =	sdelay $0x2  }
0x30: {  	s31 =	sshll.u32 s1, $0xD;
	s1 =	sshrl.u32 s1, $0x2  }
0x31: {  	s3 =	sand.u32 $0x4000, s31;
	s1 =	sadd.s32 s1, s30  }
0x32: {  	s0 =	sor.u32 s3, s0;
	s1 =	sshll.u32 s1, $0x11  }
0x33: {  	s0 =	sor.u32 s1, s0  }
0x34: {  	s0 =	sadd.s32 $0x8F2B, s0  }
0x35: {  	[sflag:s0] =	ssyncadd.remote.s32 $0x1  }
0x36: {  	_ =	sfence.sel $0xFFFF  }
0x37: {  	[dreg:$0x0] =	wrdreg $0xFFFFFFFF;
	(pc) =	sbr.abs _section_cstart, $3  }
0x38: {  	[dreg:$0x1] =	wrdreg $0xFFFFFFFF  }
0x39: {  	_ =	task.clear_ibuf [dreg:s7], $0x2FFFF;
	_ =	strace $0x9FFFFFFF  }
0x3a: {  	(tm) =	ssettm $0x7FFFFFFF  }
0x3b: {  	_ =	shalt  }
tec
execute0_lowered:
.L_overlay_start_1:
0x0: {  	(tag) =	ssettag $0x1  }
0x1: {  	s3 =	rddreg [dreg:$0x0]  }
0x2: {  	s2 =	rddreg [dreg:$0x1]  }
0x3: {  	s1 =	srdreg.scid;
	s0 =	rddreg [dreg:$0x2];
	_ =	strace $0x8000004A  }
0x4: {  	s7 =	simm.s32 $0x2;
	s17 =	simm.s32 $0x0;
	p0 =	por $0x0, $0x0  }
0x5: {  	s19 =	simm.s32 $0x0;
	s18 =	simm.s32 $0x0;
	s20 =	simm.s32 $0x0  }
0x6: {  	s8 =	simm.s32 $0x0;
	s9 =	simm.s32 $0x0;
	s11 =	simm.s32 $0x0  }
0x7: {  	s12 =	simm.s32 $0x0;
	s13 =	simm.s32 $0x0;
	s15 =	simm.s32 $0x0  }
.Ltmp0:
0x8: {  	s10 =	simm.s32 $0x0;
	s4 =	sshll.u32 s1, $0x4;
	(pc) =	sbr.rel .LBB1_1-.Ltmp0, $4  }
0x9: {  	s1 =	stileid.u32;
	s3 =	sadd.s32 $0x200, s3;
	s4 =	sand.u32 $0x10, s4  }
0xa: {  	s5 =	sand.u32 $0x3, s1;
	s6 =	sor.u32 s1, s4;
	s4 =	simm.s32 $0x1  }
0xb: {  	s16 =	smov.u32 s5;
	[sflag:s4] =	ssyncpa.u1 $0x0;
	s6 =	sshrl.u32 s6, $0x2  }
0xc: {  	[sflag:s7] =	ssyncpa.u1 $0x0;
	s7 =	simm.s32 $0x80;
	s14 =	smov.u32 s6  }
.LBB1_5:
0xd: {  	p1 =	slt.u32 s10, $0x2;
	s21 =	smov.u32 s20;
	s25 =	smov.u32 s16  }
0xe: {  	p2 =	sgt.s32 @!p1 s20, $0x3;
	s22 =	sshra.s32 @!p1 s20, $0x1F;
	p4 =	sgt.s32 @!p1 s18, $0x40  }
0xf: {  	p2 =	por !p2, p1;
	s20 =	sand.u32 @!p1 s22, s20;
	s22 =	sshra.s32 @!p1 s19, $0x1F  }
0x10: {  	p4 =	por !p4, p1;
	s21 =	simm.s32 @p2 $0x3;
	p2 =	sgt.s32 @!p1 s19, $0x1F  }
0x11: {  	s20 =	ssub.s32 @!p1 s21, s20;
	p2 =	por !p2, p1;
	s21 =	smov.u32 s19  }
0x12: {  	s19 =	sand.u32 @!p1 s22, s19;
	s22 =	sshra.s32 @!p1 s18, $0x1F;
	s21 =	simm.s32 @p2 $0x1F  }
0x13: {  	s23 =	sadd.s32 @!p1 $0xFFFFFFFD, s20;
	s20 =	ssub.s32 @!p1 $0x4, s20;
	s19 =	ssub.s32 @!p1 s21, s19  }
0x14: {  	p2 =	sgt.s32 @!p1 s23, $0x0;
	s20 =	smul.u32 @!p1 $0x38, s20;
	s21 =	sadd.s32 @!p1 $0xFFFFFFE1, s19  }
0x15: {  	s19 =	ssub.s32 @!p1 $0x20, s19;
	p2 =	por !p2, p1;
	p3 =	sgt.s32 @!p1 s21, $0x0  }
0x16: {  	s21 =	smov.u32 s18;
	s18 =	sand.u32 @!p1 s22, s18;
	s22 =	smov.u32 s17  }
0x17: {  	s20 =	simm.s32 @!p2 $0x0;
	s21 =	simm.s32 @p4 $0x40;
	p4 =	sgt.s32 @!p1 s17, $0x37  }
0x18: {  	p4 =	por !p4, p1;
	s18 =	ssub.s32 @!p1 s21, s18;
	s21 =	sshra.s32 @!p1 s17, $0x1F  }
0x19: {  	s22 =	simm.s32 @p4 $0x37;
	s23 =	sadd.s32 @!p1 $0xFFFFFFC0, s18;
	s17 =	sand.u32 @!p1 s21, s17  }
0x1a: {  	p2 =	por !p3, p1;
	p4 =	sgt.s32 @!p1 s23, $0x3F;
	s17 =	ssub.s32 @!p1 s22, s17  }
0x1b: {  	s18 =	ssub.s32 @!p1 $0x80, s18;
	p4 =	por !p4, p1;
	s21 =	sadd.s32 @!p1 $0xFFFFFFC9, s17  }
0x1c: {  	s19 =	simm.s32 @!p2 $0x0;
	s18 =	simm.s32 @!p4 $0x0;
	p2 =	sgt.s32 @!p1 s21, $0x0  }
0x1d: {  	s17 =	ssub.s32 @!p1 $0x38, s17;
	s18 =	smul.u32 @!p1 s18, s20;
	p2 =	por !p2, p1  }
0x1e: {  	s22 =	smov.u32 s14;
	s21 =	sadd.s32 $0x1, s13;
	s17 =	simm.s32 @!p2 $0x0  }
0x1f: {  	p2 =	sgt.s32 s21, $0x37;
	s18 =	smul.u32 @!p1 s19, s18;
	s19 =	sadd.s32 $0x8, s14  }
0x20: {  	s10 =	sadd.s32 $0x1, s10;
	s23 =	smov.u32 s15;
	s22 =	smov.u32 @p2 s19  }
0x21: {  	s17 =	smul.u32 @!p1 s17, s18;
	p4 =	sgt.s32 s22, $0x1F;
	s18 =	sadd.s32 $0x40, s15  }
0x22: {  	p0 =	por !p0, !p0;
	s24 =	simm.s32 @!p1 $0x2;
	s23 =	smov.u32 @p4 s18  }
0x23: {  	s20 =	smov.u32 s12;
	s18 =	sadd.s32 $0x4, s16;
	p3 =	sgt.s32 s23, $0x3F  }
0x24: {  	s12 =	smov.u32 s16;
	s21 =	simm.s32 @p2 $0x0;
	s25 =	smov.u32 @p3 s18  }
0x25: {  	s19 =	smov.u32 s9;
	s9 =	smov.u32 s14;
	p2 =	sgt.s32 s25, $0x3  }
0x26: {  	s22 =	smov.u32 @p4 s6;
	s25 =	smov.u32 @p2 s5;
	p2 =	sne.s32 s10, $0xE2  }
.Ltmp1:
0x27: {  	s17 =	sand.u32 @!p1 $0x3FFFFFF8, s17;
	s14 =	smov.u32 s22;
	(pc) =	sbr.rel @!p2 .LBB1_6-.Ltmp1, $4  }
0x28: {  	_ =	swait.ge @!p1 [sflag:s24], s17;
	s26 =	ssub.s32 @!p1 $0x0, s17;
	s17 =	smov.u32 s8  }
0x29: {  	s18 =	smov.u32 s11;
	s23 =	simm.s32 @p3 $0x0;
	s8 =	smov.u32 s13  }
0x2a: {  	s11 =	smov.u32 s15;
	s13 =	smov.u32 s21;
	[sflag:s24] =	ssyncset.done @!p1 $0x0  }
0x2b: {  	s15 =	smov.u32 s23;
	[sflag:s24] =	ssyncadd.s32 @!p1 s26;
	s16 =	smov.u32 s25  }
.LBB1_1:
0x2c: {  	p1 =	sgt.u32 s10, $0xDF  }
0x2d: {  	s21 =	sand.u32 @!p1 $0x1FFFFFF, s13;
	s23 =	smul.u32 @!p1 $0x1C0000, s16  }
0x2e: {  	s22 =	smulhi.u32 @!p1 $0x4924925, s21  }
0x2f: {  	s24 =	smul.u32 @!p1 $0x7000, s15  }
0x30: {  	s22 =	smul.u32 @!p1 $0x38, s22  }
0x31: {  	s25 =	sxor.u32 @!p1 $0xFFFFFFFF, s10;
	s26 =	smul.u32 @!p1 $0x380, s14;
	s23 =	sadd.s32 @!p1 s3, s23  }
0x32: {  	s23 =	sadd.s32 @!p1 s24, s23;
	s24 =	simm.s32 @!p1 $0x38000;
	s21 =	ssub.s32 @!p1 s21, s22  }
0x33: {  	s23 =	sadd.s32 @!p1 s26, s23;
	s22 =	sshll.u32 @!p1 s25, $0xC;
	s21 =	sshll.u32 @!p1 s21, $0x4  }
0x34: {  	s22 =	sand.u32 @!p1 $0x1000, s22;
	s21 =	sadd.s32 @!p1 s21, s23;
	s23 =	simm.s32 @!p1 $0x40  }
0x35: {  	[tilespmem:s22], [sflag:$0x1] =	stream.strided.gather @!p1 [hbm4b:s21+s23], $0x1000, s24, s23, $0x38;
	[tilespmem:$0x4080] =	vst v63  }
0x36: {  	p1 =	seq.s32 s10, $0x0  }
0x37: {  	p2 =	seq.s32 @!p1 s10, $0xE1  }
0x38: {  	p1 =	por p1, p2  }
.Ltmp2:
0x39: {  	_ = 	snop;
	(pc) =	sbr.rel @p1 .LBB1_5-.Ltmp2, $1  }
0x3a: {  	_ =	sdelay $0x3  }
0x3b: {  	s21 =	simm.s32 $0x1  }
0x3c: {  	_ =	swait.ge [sflag:s4], $0x1000;
	s21 =	simm.s32 @!p0 $0x0  }
0x3d: {  	[sflag:s4] =	ssyncset.done $0x0;
	s22 =	sshll.u32 s21, $0xC  }
0x3e: {  	[sflag:s4] =	ssyncadd.s32 $0xFFFFF000;
	s25 =	sor.u32 $0x20, s22  }
0x3f: {  	s21 =	smul.u32 $0x4100, s21;
	v3 =	vld [tilespmem:s25+$0x10]  }
0x40: {  	s30 =	sand.u32 $0x1, s10;
	v2 =	vld [tilespmem:s25+$0xFFFFFFF0]  }
0x41: {  	s22 =	smul.u32 $0x4100, s30;
	s21 =	sshrl.u32 s21, $0x2;
	v0 =	vld [tilespmem:s25+$0x0]  }
0x42: {  	v1 =	vld [tilespmem:s25+$0xFFFFFFE0];
	s23 =	sor.u32 $0x2000, s21  }
0x43: {  	s31 =	sshrl.u32 s22, $0x2;
	s22 =	sadd.s32 $0x0, s23  }
0x44: {  	s24 =	simm.s32 $0x4;
	s25 =	sadd.s32 $0x40, s25;
	s21 =	sor.u32 $0x2000, s31;
	[tilespmem:s22+$0xC30 ss:$0x41] =	vst.msk $0xffff, v3  }
.LBB1_3:
0x45: {  	v3 =	vld [tilespmem:s25+$0x10];
	p1 =	sne.s32 s24, $0xFC;
	[tilespmem:s22+$0x410 ss:$0x41] =	vst.msk $0xffff, v2;
	s26 =	smov.u32 s24;
	s24 =	sadd.s32 $0x4, s24  }
.Ltmp3:
0x46: {  	v2 =	vld [tilespmem:s25+$0xFFFFFFF0];
	[tilespmem:s22+$0x820 ss:$0x41] =	vst.msk $0xffff, v0;
	(pc) =	sbr.rel @p1 .LBB1_3-.Ltmp3, $4  }
0x47: {  	v0 =	vld [tilespmem:s25+$0x0];
	[tilespmem:s22+$0x0 ss:$0x41] =	vst.msk $0xffff, v1  }
0x48: {  	s22 =	sshra.s32 s26, $0x2;
	v1 =	vld [tilespmem:s25+$0xFFFFFFE0]  }
0x49: {  	s22 =	sadd.s32 s22, s23  }
0x4a: {  	s25 =	sadd.s32 $0x40, s25;
	[tilespmem:s22+$0xC30 ss:$0x41] =	vst.msk $0xffff, v3  }
0x4b: {  	p1 =	sgt.s32 s12, $0x3;
	s23 =	smov.u32 s12  }
0x4c: {  	s24 =	sshra.s32 s12, $0x1F;
	s25 =	sshrl.u32 s11, $0x4;
	p2 =	sgt.s32 s9, $0x1F  }
0x4d: {  	s26 =	smov.u32 s9;
	s30 =	sshra.s32 s9, $0x1F;
	s28 =	smov.u32 s11  }
0x4e: {  	s31 =	sshra.s32 s8, $0x1F;
	s23 =	simm.s32 @!p1 $0x3;
	s24 =	sand.u32 s24, s12  }
0x4f: {  	s26 =	simm.s32 @!p2 $0x1F;
	p2 =	sgt.s32 s11, $0x40;
	s23 =	ssub.s32 s23, s24  }
0x50: {  	s24 =	sand.u32 $0x1FFFFF8, s25;
	s25 =	sand.u32 s30, s9;
	s28 =	simm.s32 @!p2 $0x40  }
0x51: {  	p2 =	sgt.s32 s8, $0x37;
	s29 =	sadd.s32 $0xFFFFFFFD, s23;
	s27 =	smulhi.u32 $0x4924925, s24  }
0x52: {  	s23 =	ssub.s32 $0x4, s23;
	p1 =	sgt.s32 s29, $0x0;
	s29 =	sshra.s32 s11, $0x1F  }
0x53: {  	s25 =	ssub.s32 s26, s25;
	s23 =	smul.u32 $0x38, s23;
	s29 =	sand.u32 s29, s11  }
0x54: {  	s27 =	smul.u32 $0x38, s27;
	s26 =	ssub.s32 s28, s29;
	s28 =	sadd.s32 $0xFFFFFFE1, s25  }
0x55: {  	s29 =	smov.u32 s8;
	s25 =	ssub.s32 $0x20, s25;
	s23 =	simm.s32 @p1 $0x0  }
0x56: {  	s30 =	sadd.s32 $0xFFFFFFC0, s26;
	s29 =	simm.s32 @!p2 $0x37;
	s26 =	ssub.s32 $0x80, s26  }
0x57: {  	p3 =	sgt.s32 s28, $0x0;
	s24 =	ssub.s32 s24, s27;
	p2 =	sgt.s32 s30, $0x3F  }
0x58: {  	s30 =	sand.u32 s31, s8;
	s31 =	smul.u32 $0x188000, s12;
	s26 =	simm.s32 @p2 $0x0  }
0x59: {  	s25 =	simm.s32 @p3 $0x0;
	s29 =	ssub.s32 s29, s30;
	s23 =	smul.u32 s26, s23  }
0x5a: {  	s30 =	sadd.s32 $0xFFFFFFC9, s29;
	s26 =	ssub.s32 $0x38, s29;
	s29 =	smul.u32 $0xC400, s9  }
0x5b: {  	s28 =	sadd.s32 s2, s31;
	s31 =	smul.u32 $0x380, s8;
	p1 =	sgt.s32 s30, $0x0  }
0x5c: {  	s30 =	sshrl.u32 s11, $0x3;
	s26 =	simm.s32 @p1 $0x0;
	s23 =	smul.u32 s25, s23  }
.Ltmp4:
0x5d: {  	s27 =	sadd.s32 s29, s28;
	s25 =	sand.u32 $0xF, s30;
	(pc) =	sbr.rel .LBB1_5-.Ltmp4, $4  }
0x5e: {  	[tilespmem:s22+$0x410 ss:$0x41] =	vst.msk $0xffff, v2;
	s25 =	sadd.s32 s25, s27;
	s27 =	sand.u32 $0x7, s11;
	s23 =	smul.u32 s26, s23  }
0x5f: {  	[tilespmem:s22+$0x820 ss:$0x41] =	vst.msk $0xffff, v0;
	s24 =	sshll.u32 s24, $0x4;
	s25 =	sadd.s32 s31, s25;
	s26 =	sshll.u32 s27, $0x12  }
0x60: {  	[tilespmem:s22+$0x0 ss:$0x41] =	vst.msk $0xffff, v1;
	s30 =	sadd.s32 s24, s25;
	s31 =	sor.u32 $0x40, s26;
	s29 =	sand.u32 $0x3FFFFFF8, s23  }
0x61: {  	[hbm4b:s30+s31] =	stream.strided.scatter [tilespmem:s21], [sflag:$0x2], s29, s7, s31, $0x18;
	[tilespmem:$0x4080] =	vst v63  }
.LBB1_6:
0x62: {  	_ =	sfence.sel $0x180000  }
0x63: {  	s2 =	simm.s32 $0x1;
	[bflag:$0x0] =	sbarrier.arrive $0xFFFF  }
0x64: {  	s31 =	simm.s32 $0x2;
	[sflag:s2] =	ssyncpa.u1 $0x1  }
0x65: {  	[sflag:s31] =	ssyncpa.u1 $0x1  }
0x66: {  	p0 =	sne.s32 s1, $0x0;
	_ =	strace $0x9000004A  }
0x67: {  	s0 =	sadd.s32 @!p0 $0x100000, s0;
	[bflag:$0x2] =	sbarrier.arrive $0xFFFF  }
0x68: {  	[sflag:s0] =	ssyncadd.tile.s32 @!p0 $0x1;
	_ =	shalt  }
.Lfunc_end1:
_tile_overlayer_lowered:
.L_overlay_start_2:
0x69: {  	(tag) =	ssettag $0x2  }
0x6a: {  	s0 =	rddreg [dreg:$0x0];
	s2 =	stileid.u32  }
0x6b: {  	s1 =	rddreg [dreg:$0x1];
	p0 =	sne.s32 s2, $0x0  }
0x6c: {  	s3 =	rddreg [dreg:$0x2];
	[bflag:$0x3] =	sbarrier.arrive $0xFFFF;
	s2 =	simm.s32 @!p0 $0x1C01  }
0x6d: {  	[timem:s3], [sflag:s2] =	dma.local @!p0 [hbm:s0], s1  }
0x6e: {  	s0 =	simm.s32 @!p0 $0x1  }
0x6f: {  	_ =	swait.ge @!p0 [sflag:s0], s1  }
0x70: {  	s1 =	ssub.s32 @!p0 $0x0, s1;
	[sflag:s0] =	ssyncset.done @!p0 $0x0  }
0x71: {  	[sflag:s0] =	ssyncadd.s32 @!p0 s1  }
0x72: {  	[bflag:$0x3] =	sbarrier.arrive $0xFFFF  }
0x73: {  	_ =	shalt  }

</sc_bundles>
